<compile_context>
chip_gen: v7x
topology: tpu7x:2x2x1
jax: 0.10.2.dev20260603
libtpu: 0.0.44.dev20260713+nightly
codegen_flags: <defaults>
</compile_context>

<pallas_src>
import functools

import jax
import jax.numpy as jnp
import numpy as np
from jax import lax
from jax.experimental import pallas as pl
from jax.experimental.pallas import tpu as pltpu
from jax.experimental.pallas import tpu_sc as plsc

_FIELD_DIMS = [38462] * 26
_OFFSETS = np.concatenate([[0], np.cumsum(_FIELD_DIMS)[:-1]]).astype(np.int32)
_ROWS = int(np.sum(_FIELD_DIMS))
_D = 32
_B = 4096
_F = 26
_BF = _B * _F

_NC, _NS, _L = 2, 16, 16
_NW = _NC * _NS
_PER_W = _BF // _NW
_CHUNK = 128
_NCHUNK = _PER_W // _CHUNK


def _sc_body(xo_hbm, v_hbm, s_hbm, out_hbm, idx_v, rows_v, s_v, sem):
    wid = lax.axis_index("s") * _NC + lax.axis_index("c")
    base = wid * _PER_W

    pltpu.sync_copy(xo_hbm.at[wid], idx_v)
    pltpu.sync_copy(s_hbm, s_v)

    s0 = s_v[pl.ds(0, _L)]
    s1 = s_v[pl.ds(_L, _L)]
    t0 = 1.0 / (1.0 + jnp.exp(-s0))
    t1 = 1.0 / (1.0 + jnp.exp(-s1))
    nt0 = -t0
    nt1 = -t1

    def chunk_body(g, carry):
        pltpu.async_copy(v_hbm.at[idx_v.at[g]], rows_v, sem).wait()

        def row_body(i, c):
            r0 = rows_v[i, pl.ds(0, _L)]
            r1 = rows_v[i, pl.ds(_L, _L)]
            y0 = r0 - jnp.minimum(jnp.maximum(r0, nt0), t0)
            y1 = r1 - jnp.minimum(jnp.maximum(r1, nt1), t1)
            rows_v[i, pl.ds(0, _L)] = y0
            rows_v[i, pl.ds(_L, _L)] = y1
            return c

        lax.fori_loop(0, _CHUNK, row_body, 0, unroll=4)
        pltpu.sync_copy(rows_v, out_hbm.at[pl.ds(base + g * _CHUNK, _CHUNK)])
        return carry

    lax.fori_loop(0, _NCHUNK, chunk_body, 0)


@functools.partial(
    pl.kernel,
    out_type=jax.ShapeDtypeStruct((_BF, _D), jnp.float32),
    mesh=plsc.VectorSubcoreMesh(core_axis_name="c", subcore_axis_name="s"),
    compiler_params=pltpu.CompilerParams(use_tc_tiling_on_sc=False),
    scratch_types=[
        pltpu.VMEM((_NCHUNK, _CHUNK), jnp.int32),
        pltpu.VMEM((_CHUNK, _D), jnp.float32),
        pltpu.VMEM((_D,), jnp.float32),
        pltpu.SemaphoreType.DMA,
    ],
)
def _pep_embed_sc(xo_hbm, v_hbm, s_hbm, out_hbm, idx_v, rows_v, s_v, sem):
    _sc_body(xo_hbm, v_hbm, s_hbm, out_hbm, idx_v, rows_v, s_v, sem)


def kernel(x, v, s):
    xo = (x + jnp.asarray(_OFFSETS)[None, :]).reshape(_NW, _NCHUNK, _CHUNK)
    out = _pep_embed_sc(xo, v, s)
    return out.reshape(_B, _F, _D)

# --- scband reference (transcript-rebuilt; emitter-appended) ---
"""Pipeline reference for scband-pepembedding-47467978556122 (READ-ONLY COPY).

The authoritative reference and input builder live on the scoring server;
editing this copy changes nothing except your own understanding.
"""

import jax, jax.numpy as jnp
import numpy as np

FIELD_DIMS = [38462] * 26
FEATURE_NUM = sum(FIELD_DIMS)
LATENT_DIM = 32
BATCH = 4096
GK = 1.0
THRESHOLD_INIT = -15.0
OFFSETS = np.concatenate([[0], np.cumsum(FIELD_DIMS)[:-1]]).astype(np.int32)


def setup_inputs(seed: int = 0):
    key = jax.random.key(seed)
    k1, k2 = jax.random.split(key)
    x = jax.random.randint(k1, (BATCH, len(FIELD_DIMS)), 0, FIELD_DIMS[0], dtype=jnp.int32)
    bound = float(np.sqrt(6.0 / (FEATURE_NUM + LATENT_DIM)))
    v = jax.random.uniform(k2, (FEATURE_NUM, LATENT_DIM), minval=-bound, maxval=bound, dtype=jnp.float32)
    s = THRESHOLD_INIT * jnp.ones((LATENT_DIM,), dtype=jnp.float32)
    return {"x": x, "v": v, "s": s}


def reference(x, v, s):
    # x: int32[B, F] per-field indices; add field offsets to index the flat table
    xo = x + jnp.asarray(OFFSETS)[None, :]
    # soft threshold (threshold_type='dimension': s has shape [latent_dim] != field_num,
    # so the non-field branch is taken): sign(v) * relu(|v| - sigmoid(s) * gk)
    sparse_v = jnp.sign(v) * jax.nn.relu(jnp.abs(v) - jax.nn.sigmoid(s) * GK)
    # embedding lookup: gather rows of the soft-thresholded table
    xv = jnp.take(sparse_v, xo, axis=0)
    return xv

if __name__ == "__main__":
    import jax
    _d = setup_inputs()
    print(jax.jit(kernel)(*tuple(_d.values())))

</pallas_src>

<mosaic_0001>
#map = affine_map<(d0, d1) -> (0, 0, 0)>
#map1 = affine_map<(d0, d1) -> (0, 0)>
#map2 = affine_map<(d0, d1) -> (0)>
module attributes {stable_mosaic.version = 14 : i64} {
  func.func @_pep_embed_sc(%arg0: i32, %arg1: i32, %arg2: memref<32x26x128xi32, #tpu.memory_space<hbm>>, %arg3: memref<1000012x32xf32, #tpu.memory_space<hbm>>, %arg4: memref<32xf32, #tpu.memory_space<hbm>>, %arg5: memref<106496x32xf32, #tpu.memory_space<hbm>>, %arg6: memref<26x128xi32, #tpu.memory_space<vmem>>, %arg7: memref<128x32xf32, #tpu.memory_space<vmem>>, %arg8: memref<32xf32, #tpu.memory_space<vmem>>, %arg9: memref<!tpu.dma_semaphore, #tpu.memory_space<semaphore_mem>>) attributes {dimension_semantics = [#tpu.dimension_semantics<core_parallel>, #tpu.dimension_semantics<subcore_parallel>], iteration_bounds = array<i64: 2, 16>, scalar_prefetch = 0 : i64, scratch_operands = 4 : i64, tpu.core_type = #tpu.core_type<sc_vector_subcore>, window_params = [{transform_indices = #map}, {transform_indices = #map1}, {transform_indices = #map2}, {transform_indices = #map1}]} {
    %mul3A = arith.constant 2 : i32
    %mul3A_0 = arith.muli %arg1, %mul3A : i32
    %add3A = arith.addi %mul3A_0, %arg0 : i32
    %mul3A_1 = arith.constant 3328 : i32
    %mul3A_2 = arith.muli %add3A, %mul3A_1 : i32
    "tpu.region"() ({
      %run_scoped3A = tpu.sem_alloc : memref<!tpu.dma_semaphore, #tpu.memory_space<semaphore_mem>>
      %dma_start3A = arith.constant 0 : i32
      %dma_start3A_36 = arith.constant 0 : i32
      %dma_start3A_37 = tpu.memref_slice %arg2[%add3A, %dma_start3A, %dma_start3A_36] : memref<32x26x128xi32, #tpu.memory_space<hbm>> -> memref<1x26x128xi32, #tpu.memory_space<hbm>>
      %dma_start3A_38 = tpu.memref_squeeze %dma_start3A_37 : memref<1x26x128xi32, #tpu.memory_space<hbm>> -> memref<26x128xi32, #tpu.memory_space<hbm>>
      %dma_start3A_39 = arith.constant 0 : i32
      %dma_start3A_40 = arith.constant 0 : i32
      %dma_start3A_41 = tpu.memref_slice %arg2[%add3A, %dma_start3A_39, %dma_start3A_40] : memref<32x26x128xi32, #tpu.memory_space<hbm>> -> memref<1x26x128xi32, #tpu.memory_space<hbm>>
      %dma_start3A_42 = tpu.memref_squeeze %dma_start3A_41 : memref<1x26x128xi32, #tpu.memory_space<hbm>> -> memref<26x128xi32, #tpu.memory_space<hbm>>
      tpu.enqueue_dma source(%dma_start3A_42 : memref<26x128xi32, #tpu.memory_space<hbm>>) target(%arg6 : memref<26x128xi32, #tpu.memory_space<vmem>>) target_semaphore(%run_scoped3A : memref<!tpu.dma_semaphore, #tpu.memory_space<semaphore_mem>>)
      %dma_wait3A = arith.constant 0 : i32
      %dma_wait3A_43 = arith.constant 0 : i32
      %dma_wait3A_44 = tpu.memref_slice %arg2[%add3A, %dma_wait3A, %dma_wait3A_43] : memref<32x26x128xi32, #tpu.memory_space<hbm>> -> memref<1x26x128xi32, #tpu.memory_space<hbm>>
      %dma_wait3A_45 = tpu.memref_squeeze %dma_wait3A_44 : memref<1x26x128xi32, #tpu.memory_space<hbm>> -> memref<26x128xi32, #tpu.memory_space<hbm>>
      %dma_wait3A_46 = arith.constant 0 : i32
      %dma_wait3A_47 = arith.constant 0 : i32
      %dma_wait3A_48 = tpu.memref_slice %arg2[%add3A, %dma_wait3A_46, %dma_wait3A_47] : memref<32x26x128xi32, #tpu.memory_space<hbm>> -> memref<1x26x128xi32, #tpu.memory_space<hbm>>
      %dma_wait3A_49 = tpu.memref_squeeze %dma_wait3A_48 : memref<1x26x128xi32, #tpu.memory_space<hbm>> -> memref<26x128xi32, #tpu.memory_space<hbm>>
      tpu.wait_dma2 semaphore(%run_scoped3A : memref<!tpu.dma_semaphore, #tpu.memory_space<semaphore_mem>>) src(%dma_wait3A_49 : memref<26x128xi32, #tpu.memory_space<hbm>>) dst(%arg6 : memref<26x128xi32, #tpu.memory_space<vmem>>)
      tpu.yield
    }) : () -> ()
    "tpu.region"() ({
      %run_scoped3A = tpu.sem_alloc : memref<!tpu.dma_semaphore, #tpu.memory_space<semaphore_mem>>
      tpu.enqueue_dma source(%arg4 : memref<32xf32, #tpu.memory_space<hbm>>) target(%arg8 : memref<32xf32, #tpu.memory_space<vmem>>) target_semaphore(%run_scoped3A : memref<!tpu.dma_semaphore, #tpu.memory_space<semaphore_mem>>)
      tpu.wait_dma2 semaphore(%run_scoped3A : memref<!tpu.dma_semaphore, #tpu.memory_space<semaphore_mem>>) src(%arg4 : memref<32xf32, #tpu.memory_space<hbm>>) dst(%arg8 : memref<32xf32, #tpu.memory_space<vmem>>)
      tpu.yield
    }) : () -> ()
    %get3A = arith.constant 0 : index
    %get3A_3 = tpu.vector_load %arg8[%get3A] {strides = array<i32>} : memref<32xf32, #tpu.memory_space<vmem>>, vector<16xf32>,
    %get3A_4 = vector.shape_cast %get3A_3 : vector<16xf32> to vector<16xf32>
    %get3A_5 = arith.constant 16 : index
    %get3A_6 = tpu.vector_load %arg8[%get3A_5] {strides = array<i32>} : memref<32xf32, #tpu.memory_space<vmem>>, vector<16xf32>,
    %get3A_7 = vector.shape_cast %get3A_6 : vector<16xf32> to vector<16xf32>
    %neg3A = arith.constant 0.000000e+00 : f32
    %neg3A_8 = vector.broadcast %neg3A : f32 to vector<16xf32>
    %neg3A_9 = arith.subf %neg3A_8, %get3A_4 : vector<16xf32>
    %exp3A = math.exp %neg3A_9 : vector<16xf32>
    %add3A_10 = arith.constant 1.000000e+00 : f32
    %add3A_11 = vector.broadcast %add3A_10 : f32 to vector<16xf32>
    %add3A_12 = arith.addf %add3A_11, %exp3A : vector<16xf32>
    %div3A = arith.constant 1.000000e+00 : f32
    %div3A_13 = vector.broadcast %div3A : f32 to vector<16xf32>
    %div3A_14 = arith.divf %div3A_13, %add3A_12 : vector<16xf32>
    %neg3A_15 = arith.constant 0.000000e+00 : f32
    %neg3A_16 = vector.broadcast %neg3A_15 : f32 to vector<16xf32>
    %neg3A_17 = arith.subf %neg3A_16, %get3A_7 : vector<16xf32>
    %exp3A_18 = math.exp %neg3A_17 : vector<16xf32>
    %add3A_19 = arith.constant 1.000000e+00 : f32
    %add3A_20 = vector.broadcast %add3A_19 : f32 to vector<16xf32>
    %add3A_21 = arith.addf %add3A_20, %exp3A_18 : vector<16xf32>
    %div3A_22 = arith.constant 1.000000e+00 : f32
    %div3A_23 = vector.broadcast %div3A_22 : f32 to vector<16xf32>
    %div3A_24 = arith.divf %div3A_23, %add3A_21 : vector<16xf32>
    %neg3A_25 = arith.constant 0.000000e+00 : f32
    %neg3A_26 = vector.broadcast %neg3A_25 : f32 to vector<16xf32>
    %neg3A_27 = arith.subf %neg3A_26, %div3A_14 : vector<16xf32>
    %neg3A_28 = arith.constant 0.000000e+00 : f32
    %neg3A_29 = vector.broadcast %neg3A_28 : f32 to vector<16xf32>
    %neg3A_30 = arith.subf %neg3A_29, %div3A_24 : vector<16xf32>
    %scan3A = arith.constant 0 : i32
    %scan3A_31 = arith.constant 0 : i32
    %scan3A_32 = arith.constant 26 : i32
    %scan3A_33 = arith.addi %scan3A_31, %scan3A_32 : i32
    %scan3A_34 = arith.constant 1 : i32
    scf.for %scan3A_36 = %scan3A_31 to %scan3A_33 step %scan3A_34  : i32 {
      %dma_start3A = arith.constant 0 : i32
      %dma_start3A_37 = tpu.memref_slice %arg6[%scan3A_36, %dma_start3A] : memref<26x128xi32, #tpu.memory_space<vmem>> -> memref<1x128xi32, #tpu.memory_space<vmem>>
      %dma_start3A_38 = tpu.memref_squeeze %dma_start3A_37 : memref<1x128xi32, #tpu.memory_space<vmem>> -> memref<128xi32, #tpu.memory_space<vmem>>
      %dma_start3A_39 = arith.constant 0 : i32
      %dma_start3A_40 = arith.constant 0 : i32
      %dma_start3A_41 = tpu.memref_slice %arg3[%dma_start3A_39, %dma_start3A_40] : memref<1000012x32xf32, #tpu.memory_space<hbm>> -> memref<1000012x32xf32, #tpu.memory_space<hbm>>
      tpu.enqueue_indirect_dma source(%dma_start3A_41 : memref<1000012x32xf32, #tpu.memory_space<hbm>>) target(%arg7 : memref<128x32xf32, #tpu.memory_space<vmem>>) offsets(%dma_start3A_38 : memref<128xi32, #tpu.memory_space<vmem>>) semaphore(%arg9 : memref<!tpu.dma_semaphore, #tpu.memory_space<semaphore_mem>>)
      %dma_wait3A = arith.constant 0 : i32
      %dma_wait3A_42 = tpu.memref_slice %arg6[%scan3A_36, %dma_wait3A] : memref<26x128xi32, #tpu.memory_space<vmem>> -> memref<1x128xi32, #tpu.memory_space<vmem>>
      %dma_wait3A_43 = tpu.memref_squeeze %dma_wait3A_42 : memref<1x128xi32, #tpu.memory_space<vmem>> -> memref<128xi32, #tpu.memory_space<vmem>>
      %dma_wait3A_44 = arith.constant 0 : i32
      %dma_wait3A_45 = arith.constant 0 : i32
      %dma_wait3A_46 = tpu.memref_slice %arg3[%dma_wait3A_44, %dma_wait3A_45] : memref<1000012x32xf32, #tpu.memory_space<hbm>> -> memref<1000012x32xf32, #tpu.memory_space<hbm>>
      tpu.wait_indirect_dma semaphore(%arg9 : memref<!tpu.dma_semaphore, #tpu.memory_space<semaphore_mem>>) src(%dma_wait3A_46 : memref<1000012x32xf32, #tpu.memory_space<hbm>>) dst(%arg7 : memref<128x32xf32, #tpu.memory_space<vmem>>)
      %scan3A_47 = arith.constant 0 : i32
      %scan3A_48 = arith.constant 0 : i32
      %scan3A_49 = arith.constant 128 : i32
      %scan3A_50 = arith.addi %scan3A_48, %scan3A_49 : i32
      %scan3A_51 = arith.constant 4 : i32
      scf.for %scan3A_56 = %scan3A_48 to %scan3A_50 step %scan3A_51  : i32 {
        %get3A_57 = arith.index_cast %scan3A_56 : i32 to index
        %get3A_58 = arith.constant 0 : index
        %get3A_59 = tpu.vector_load %arg7[%get3A_57, %get3A_58] {strides = array<i32>} : memref<128x32xf32, #tpu.memory_space<vmem>>, vector<1x16xf32>,
        %get3A_60 = vector.shape_cast %get3A_59 : vector<1x16xf32> to vector<16xf32>
        %get3A_61 = arith.index_cast %scan3A_56 : i32 to index
        %get3A_62 = arith.constant 16 : index
        %get3A_63 = tpu.vector_load %arg7[%get3A_61, %get3A_62] {strides = array<i32>} : memref<128x32xf32, #tpu.memory_space<vmem>>, vector<1x16xf32>,
        %get3A_64 = vector.shape_cast %get3A_63 : vector<1x16xf32> to vector<16xf32>
        %max3A = arith.maximumf %get3A_60, %neg3A_27 : vector<16xf32>
        %min3A = arith.minimumf %max3A, %div3A_14 : vector<16xf32>
        %sub3A = arith.subf %get3A_60, %min3A : vector<16xf32>
        %max3A_65 = arith.maximumf %get3A_64, %neg3A_30 : vector<16xf32>
        %min3A_66 = arith.minimumf %max3A_65, %div3A_24 : vector<16xf32>
        %sub3A_67 = arith.subf %get3A_64, %min3A_66 : vector<16xf32>
        %swap3A = arith.index_cast %scan3A_56 : i32 to index
        %swap3A_68 = arith.constant 0 : index
        %swap3A_69 = tpu.vector_load %arg7[%swap3A, %swap3A_68] {strides = array<i32>} : memref<128x32xf32, #tpu.memory_space<vmem>>, vector<1x16xf32>,
        %swap3A_70 = vector.shape_cast %swap3A_69 : vector<1x16xf32> to vector<16xf32>
        %swap3A_71 = vector.shape_cast %sub3A : vector<16xf32> to vector<1x16xf32>
        tpu.vector_store %arg7[%swap3A, %swap3A_68], %swap3A_71 {strides = array<i32>} : memref<128x32xf32, #tpu.memory_space<vmem>>, vector<1x16xf32>,
        %swap3A_72 = arith.index_cast %scan3A_56 : i32 to index
        %swap3A_73 = arith.constant 16 : index
        %swap3A_74 = tpu.vector_load %arg7[%swap3A_72, %swap3A_73] {strides = array<i32>} : memref<128x32xf32, #tpu.memory_space<vmem>>, vector<1x16xf32>,
        %swap3A_75 = vector.shape_cast %swap3A_74 : vector<1x16xf32> to vector<16xf32>
        %swap3A_76 = vector.shape_cast %sub3A_67 : vector<16xf32> to vector<1x16xf32>
        tpu.vector_store %arg7[%swap3A_72, %swap3A_73], %swap3A_76 {strides = array<i32>} : memref<128x32xf32, #tpu.memory_space<vmem>>, vector<1x16xf32>,
        %scan3A_77 = arith.constant 1 : i32
        %scan3A_78 = arith.addi %scan3A_56, %scan3A_77 : i32
        %get3A_79 = arith.index_cast %scan3A_78 : i32 to index
        %get3A_80 = arith.constant 0 : index
        %get3A_81 = tpu.vector_load %arg7[%get3A_79, %get3A_80] {strides = array<i32>} : memref<128x32xf32, #tpu.memory_space<vmem>>, vector<1x16xf32>,
        %get3A_82 = vector.shape_cast %get3A_81 : vector<1x16xf32> to vector<16xf32>
        %get3A_83 = arith.index_cast %scan3A_78 : i32 to index
        %get3A_84 = arith.constant 16 : index
        %get3A_85 = tpu.vector_load %arg7[%get3A_83, %get3A_84] {strides = array<i32>} : memref<128x32xf32, #tpu.memory_space<vmem>>, vector<1x16xf32>,
        %get3A_86 = vector.shape_cast %get3A_85 : vector<1x16xf32> to vector<16xf32>
        %max3A_87 = arith.maximumf %get3A_82, %neg3A_27 : vector<16xf32>
        %min3A_88 = arith.minimumf %max3A_87, %div3A_14 : vector<16xf32>
        %sub3A_89 = arith.subf %get3A_82, %min3A_88 : vector<16xf32>
        %max3A_90 = arith.maximumf %get3A_86, %neg3A_30 : vector<16xf32>
        %min3A_91 = arith.minimumf %max3A_90, %div3A_24 : vector<16xf32>
        %sub3A_92 = arith.subf %get3A_86, %min3A_91 : vector<16xf32>
        %swap3A_93 = arith.index_cast %scan3A_78 : i32 to index
        %swap3A_94 = arith.constant 0 : index
        %swap3A_95 = tpu.vector_load %arg7[%swap3A_93, %swap3A_94] {strides = array<i32>} : memref<128x32xf32, #tpu.memory_space<vmem>>, vector<1x16xf32>,
        %swap3A_96 = vector.shape_cast %swap3A_95 : vector<1x16xf32> to vector<16xf32>
        %swap3A_97 = vector.shape_cast %sub3A_89 : vector<16xf32> to vector<1x16xf32>
        tpu.vector_store %arg7[%swap3A_93, %swap3A_94], %swap3A_97 {strides = array<i32>} : memref<128x32xf32, #tpu.memory_space<vmem>>, vector<1x16xf32>,
        %swap3A_98 = arith.index_cast %scan3A_78 : i32 to index
        %swap3A_99 = arith.constant 16 : index
        %swap3A_100 = tpu.vector_load %arg7[%swap3A_98, %swap3A_99] {strides = array<i32>} : memref<128x32xf32, #tpu.memory_space<vmem>>, vector<1x16xf32>,
        %swap3A_101 = vector.shape_cast %swap3A_100 : vector<1x16xf32> to vector<16xf32>
        %swap3A_102 = vector.shape_cast %sub3A_92 : vector<16xf32> to vector<1x16xf32>
        tpu.vector_store %arg7[%swap3A_98, %swap3A_99], %swap3A_102 {strides = array<i32>} : memref<128x32xf32, #tpu.memory_space<vmem>>, vector<1x16xf32>,
        %scan3A_103 = arith.constant 2 : i32
        %scan3A_104 = arith.addi %scan3A_56, %scan3A_103 : i32
        %get3A_105 = arith.index_cast %scan3A_104 : i32 to index
        %get3A_106 = arith.constant 0 : index
        %get3A_107 = tpu.vector_load %arg7[%get3A_105, %get3A_106] {strides = array<i32>} : memref<128x32xf32, #tpu.memory_space<vmem>>, vector<1x16xf32>,
        %get3A_108 = vector.shape_cast %get3A_107 : vector<1x16xf32> to vector<16xf32>
        %get3A_109 = arith.index_cast %scan3A_104 : i32 to index
        %get3A_110 = arith.constant 16 : index
        %get3A_111 = tpu.vector_load %arg7[%get3A_109, %get3A_110] {strides = array<i32>} : memref<128x32xf32, #tpu.memory_space<vmem>>, vector<1x16xf32>,
        %get3A_112 = vector.shape_cast %get3A_111 : vector<1x16xf32> to vector<16xf32>
        %max3A_113 = arith.maximumf %get3A_108, %neg3A_27 : vector<16xf32>
        %min3A_114 = arith.minimumf %max3A_113, %div3A_14 : vector<16xf32>
        %sub3A_115 = arith.subf %get3A_108, %min3A_114 : vector<16xf32>
        %max3A_116 = arith.maximumf %get3A_112, %neg3A_30 : vector<16xf32>
        %min3A_117 = arith.minimumf %max3A_116, %div3A_24 : vector<16xf32>
        %sub3A_118 = arith.subf %get3A_112, %min3A_117 : vector<16xf32>
        %swap3A_119 = arith.index_cast %scan3A_104 : i32 to index
        %swap3A_120 = arith.constant 0 : index
        %swap3A_121 = tpu.vector_load %arg7[%swap3A_119, %swap3A_120] {strides = array<i32>} : memref<128x32xf32, #tpu.memory_space<vmem>>, vector<1x16xf32>,
        %swap3A_122 = vector.shape_cast %swap3A_121 : vector<1x16xf32> to vector<16xf32>
        %swap3A_123 = vector.shape_cast %sub3A_115 : vector<16xf32> to vector<1x16xf32>
        tpu.vector_store %arg7[%swap3A_119, %swap3A_120], %swap3A_123 {strides = array<i32>} : memref<128x32xf32, #tpu.memory_space<vmem>>, vector<1x16xf32>,
        %swap3A_124 = arith.index_cast %scan3A_104 : i32 to index
        %swap3A_125 = arith.constant 16 : index
        %swap3A_126 = tpu.vector_load %arg7[%swap3A_124, %swap3A_125] {strides = array<i32>} : memref<128x32xf32, #tpu.memory_space<vmem>>, vector<1x16xf32>,
        %swap3A_127 = vector.shape_cast %swap3A_126 : vector<1x16xf32> to vector<16xf32>
        %swap3A_128 = vector.shape_cast %sub3A_118 : vector<16xf32> to vector<1x16xf32>
        tpu.vector_store %arg7[%swap3A_124, %swap3A_125], %swap3A_128 {strides = array<i32>} : memref<128x32xf32, #tpu.memory_space<vmem>>, vector<1x16xf32>,
        %scan3A_129 = arith.constant 3 : i32
        %scan3A_130 = arith.addi %scan3A_56, %scan3A_129 : i32
        %get3A_131 = arith.index_cast %scan3A_130 : i32 to index
        %get3A_132 = arith.constant 0 : index
        %get3A_133 = tpu.vector_load %arg7[%get3A_131, %get3A_132] {strides = array<i32>} : memref<128x32xf32, #tpu.memory_space<vmem>>, vector<1x16xf32>,
        %get3A_134 = vector.shape_cast %get3A_133 : vector<1x16xf32> to vector<16xf32>
        %get3A_135 = arith.index_cast %scan3A_130 : i32 to index
        %get3A_136 = arith.constant 16 : index
        %get3A_137 = tpu.vector_load %arg7[%get3A_135, %get3A_136] {strides = array<i32>} : memref<128x32xf32, #tpu.memory_space<vmem>>, vector<1x16xf32>,
        %get3A_138 = vector.shape_cast %get3A_137 : vector<1x16xf32> to vector<16xf32>
        %max3A_139 = arith.maximumf %get3A_134, %neg3A_27 : vector<16xf32>
        %min3A_140 = arith.minimumf %max3A_139, %div3A_14 : vector<16xf32>
        %sub3A_141 = arith.subf %get3A_134, %min3A_140 : vector<16xf32>
        %max3A_142 = arith.maximumf %get3A_138, %neg3A_30 : vector<16xf32>
        %min3A_143 = arith.minimumf %max3A_142, %div3A_24 : vector<16xf32>
        %sub3A_144 = arith.subf %get3A_138, %min3A_143 : vector<16xf32>
        %swap3A_145 = arith.index_cast %scan3A_130 : i32 to index
        %swap3A_146 = arith.constant 0 : index
        %swap3A_147 = tpu.vector_load %arg7[%swap3A_145, %swap3A_146] {strides = array<i32>} : memref<128x32xf32, #tpu.memory_space<vmem>>, vector<1x16xf32>,
        %swap3A_148 = vector.shape_cast %swap3A_147 : vector<1x16xf32> to vector<16xf32>
        %swap3A_149 = vector.shape_cast %sub3A_141 : vector<16xf32> to vector<1x16xf32>
        tpu.vector_store %arg7[%swap3A_145, %swap3A_146], %swap3A_149 {strides = array<i32>} : memref<128x32xf32, #tpu.memory_space<vmem>>, vector<1x16xf32>,
        %swap3A_150 = arith.index_cast %scan3A_130 : i32 to index
        %swap3A_151 = arith.constant 16 : index
        %swap3A_152 = tpu.vector_load %arg7[%swap3A_150, %swap3A_151] {strides = array<i32>} : memref<128x32xf32, #tpu.memory_space<vmem>>, vector<1x16xf32>,
        %swap3A_153 = vector.shape_cast %swap3A_152 : vector<1x16xf32> to vector<16xf32>
        %swap3A_154 = vector.shape_cast %sub3A_144 : vector<16xf32> to vector<1x16xf32>
        tpu.vector_store %arg7[%swap3A_150, %swap3A_151], %swap3A_154 {strides = array<i32>} : memref<128x32xf32, #tpu.memory_space<vmem>>, vector<1x16xf32>,
      }
      %scan3A_52 = arith.constant 128 : i32
      %mul3A_53 = arith.constant 128 : i32
      %mul3A_54 = arith.muli %scan3A_36, %mul3A_53 : i32
      %add3A_55 = arith.addi %mul3A_2, %mul3A_54 : i32
      "tpu.region"() ({
        %run_scoped3A = tpu.sem_alloc : memref<!tpu.dma_semaphore, #tpu.memory_space<semaphore_mem>>
        %dma_start3A_56 = arith.constant 0 : i32
        %dma_start3A_57 = tpu.memref_slice %arg5[%add3A_55, %dma_start3A_56] : memref<106496x32xf32, #tpu.memory_space<hbm>> -> memref<128x32xf32, #tpu.memory_space<hbm>>
        %dma_start3A_58 = arith.constant 0 : i32
        %dma_start3A_59 = tpu.memref_slice %arg5[%add3A_55, %dma_start3A_58] : memref<106496x32xf32, #tpu.memory_space<hbm>> -> memref<128x32xf32, #tpu.memory_space<hbm>>
        tpu.enqueue_dma source(%arg7 : memref<128x32xf32, #tpu.memory_space<vmem>>) target(%dma_start3A_59 : memref<128x32xf32, #tpu.memory_space<hbm>>) target_semaphore(%run_scoped3A : memref<!tpu.dma_semaphore, #tpu.memory_space<semaphore_mem>>)
        %dma_wait3A_60 = arith.constant 0 : i32
        %dma_wait3A_61 = tpu.memref_slice %arg5[%add3A_55, %dma_wait3A_60] : memref<106496x32xf32, #tpu.memory_space<hbm>> -> memref<128x32xf32, #tpu.memory_space<hbm>>
        %dma_wait3A_62 = arith.constant 0 : i32
        %dma_wait3A_63 = tpu.memref_slice %arg5[%add3A_55, %dma_wait3A_62] : memref<106496x32xf32, #tpu.memory_space<hbm>> -> memref<128x32xf32, #tpu.memory_space<hbm>>
        tpu.wait_dma2 semaphore(%run_scoped3A : memref<!tpu.dma_semaphore, #tpu.memory_space<semaphore_mem>>) src(%arg7 : memref<128x32xf32, #tpu.memory_space<vmem>>) dst(%dma_wait3A_63 : memref<128x32xf32, #tpu.memory_space<hbm>>)
        tpu.yield
      }) : () -> ()
    }
    %scan3A_35 = arith.constant 26 : i32
    return
  }
}

</mosaic_0001>

<sc_bundles>
// kernel: kernel.3.cloned.1.call-start
scs
__scs_entry_jumppad:
0x0: {  	(pc) =	sbr.rel $0x88, $3  }
0x1: {  	(tag) =	ssettag $0x0;
	lr =	simm.s32 $0x1  }
0x2: {  	[smem:$0x3F9E] =	sst lr;
	_ =	strace $0xD0000000  }
0x3: {  	_ = 	snop  }
0x4: {  	_ = 	snop  }
0x5: {  	_ = 	snop  }
0x6: {  	_ = 	snop  }
0x7: {  	_ = 	snop  }
__scs_overlays_trampoline_lowered:
0x8: {  	[smem:$0x3FAD] =	sst s0  }
0x9: {  	[smem:$0x3FAE] =	sst s1  }
0xa: {  	[smem:$0x3FAF] =	sst s2  }
0xb: {  	[smem:$0x3FB0] =	sst s3  }
0xc: {  	[smem:$0x3FB1] =	sst s4  }
0xd: {  	[smem:$0x3FB2] =	sst s5  }
0xe: {  	[smem:$0x3FB3] =	sst s6  }
0xf: {  	[smem:$0x3FB4] =	sst s7  }
0x10: {  	[smem:$0x3FB5] =	sst s8  }
0x11: {  	[smem:$0x3FB6] =	sst s9;
	s0 =	simm.s32 @!p0 $0x0  }
0x12: {  	s1 =	sld [smem:$0x3F9C];
	s0 =	simm.s32 @p0 $0x1  }
0x13: {  	[smem:$0x3FB7] =	sst s0;
	s0 =	simm.s32 @!p1 $0x0  }
0x14: {  	s2 =	sld [smem:$0x3F9B];
	s0 =	simm.s32 @p1 $0x1  }
0x15: {  	[smem:$0x3FB8] =	sst s0;
	s0 =	simm.s32 @!p2 $0x0  }
0x16: {  	s3 =	sld [smem:$0x3FDB];
	s0 =	simm.s32 @p2 $0x1  }
0x17: {  	s4 =	simm.s32 $0x1BF5;
	[smem:$0x3FBA] =	sst s0  }
0x18: {  	s0 =	sld [smem:$0x3F9D];
	_ =	swait.ge [sflag:s4], $0x0  }
0x19: {  	s7 =	sld [smem:$0x3F9E]  }
0x1a: {  	s8 =	sadd.s32 $0xFFFFE003, lr  }
0x1b: {  	s9 =	sadd.s32 $0xFFFFFEF7, lr;
	s5 =	simm.s32 $0xFFFFFFFF;
	p2 =	slt.u32 s8, $0xFFFFF086  }
0x1c: {  	p1 =	slt.u32 s9, $0xF7A;
	s5 =	simm.s32 @!p2 $0x0  }
0x1d: {  	s5 =	simm.s32 @p1 $0x1;
	p0 =	seq.s32 s7, s2  }
0x1e: {  	s7 =	smul.u32 @!p0 $0xF7A, s2;
	p2 =	seq.s32 @!p0 s5, $0x0  }
0x1f: {  	s9 =	smul.u32 $0xF7A, s1;
	s8 =	simm.s32 @!p0 $0x1BF5;
	p2 =	por !p2, p0  }
0x20: {  	[sflag:s8] =	ssyncset.s32 @!p0 $0xFFFFF086;
	s6 =	sadd.s32 @!p0 s3, s7;
	s7 =	simm.s32 @!p0 $0x108  }
0x21: {  	s3 =	sadd.s32 s3, s9;
	s6 =	sadd.s32 @!p0 $0x88, s6;
	s7 =	simm.s32 @p2 $0x1082  }
0x22: {  	[simem:s7], [sflag:s8] =	dma.local @!p0 [hbm:s6], $0xF7A  }
0x23: {  	s9 =	sor.u32 $0xD0000000, s2;
	s6 =	simm.s32 $0x108;
	_ =	swait.ge @!p0 [sflag:s8], $0x0  }
0x24: {  	s3 =	sadd.s32 $0x88, s3;
	s6 =	simm.s32 @!p1 $0x1082;
	[sflag:s4] =	ssyncset.s32 $0xFFFFF086  }
0x25: {  	[simem:s6], [sflag:s4] =	dma.local [hbm:s3], $0xF7A  }
0x26: {  	[smem:$0x3F9E] =	sst s1;
	(tag) =	ssettag s2;
	_ =	strace s9  }
0x27: {  	s1 =	sld [smem:$0x3FAE]  }
0x28: {  	s2 =	sld [smem:$0x3FAF]  }
0x29: {  	s4 =	sld [smem:$0x3FB1]  }
0x2a: {  	p0 =	seq.s32 s5, $0x0;
	s5 =	sld [smem:$0x3FB2]  }
0x2b: {  	s6 =	sld [smem:$0x3FB3]  }
0x2c: {  	s7 =	sld [smem:$0x3FB4]  }
0x2d: {  	s3 =	simm.s32 $0x108;
	s8 =	sld [smem:$0x3FB5]  }
0x2e: {  	s3 =	simm.s32 @!p0 $0x1082;
	s9 =	sld [smem:$0x3FB6]  }
0x2f: {  	lr =	sadd.s32 s0, s3;
	s0 =	sld [smem:$0x3FAD]  }
0x30: {  	s3 =	sld [smem:$0x3FB0]  }
0x31: {  	[smem:$0x3FB9] =	sst s10  }
0x32: {  	s10 =	sld [smem:$0x3FB7];
	_ =	sdelay $0x3  }
0x33: {  	p0 =	seq.s32 s10, $0x1;
	s10 =	sld [smem:$0x3FB9];
	_ =	sdelay $0x3  }
0x34: {  	[smem:$0x3FB9] =	sst s10  }
0x35: {  	s10 =	sld [smem:$0x3FB8];
	_ =	sdelay $0x3  }
0x36: {  	p1 =	seq.s32 s10, $0x1;
	s10 =	sld [smem:$0x3FB9];
	_ =	sdelay $0x3  }
0x37: {  	[smem:$0x3FB9] =	sst s10  }
0x38: {  	s10 =	sld [smem:$0x3FBA]  }
0x39: {  	_ = 	snop;
	(pc) =	sbr.ind lr, $3  }
0x3a: {  	_ = 	snop  }
0x3b: {  	_ = 	snop  }
0x3c: {  	p2 =	seq.s32 s10, $0x1;
	s10 =	sld [smem:$0x3FB9]  }
0x3d: {  	_ =	shalt  }
0x3e: {  	_ =	shalt  }
0x3f: {  	_ =	shalt  }
0x40: {  	_ =	shalt  }
0x41: {  	_ =	shalt  }
0x42: {  	_ =	shalt  }
0x43: {  	_ =	shalt  }
0x44: {  	_ =	shalt  }
0x45: {  	_ =	shalt  }
0x46: {  	_ =	shalt  }
0x47: {  	_ =	shalt  }
0x48: {  	_ =	shalt  }
0x49: {  	_ =	shalt  }
0x4a: {  	_ =	shalt  }
0x4b: {  	_ =	shalt  }
0x4c: {  	_ =	shalt  }
0x4d: {  	_ =	shalt  }
0x4e: {  	_ =	shalt  }
0x4f: {  	_ =	shalt  }
0x50: {  	_ =	shalt  }
0x51: {  	_ =	shalt  }
0x52: {  	_ =	shalt  }
0x53: {  	_ =	shalt  }
0x54: {  	_ =	shalt  }
0x55: {  	_ =	shalt  }
0x56: {  	_ =	shalt  }
0x57: {  	_ =	shalt  }
0x58: {  	_ =	shalt  }
0x59: {  	_ =	shalt  }
0x5a: {  	_ =	shalt  }
0x5b: {  	_ =	shalt  }
0x5c: {  	_ =	shalt  }
0x5d: {  	_ =	shalt  }
0x5e: {  	_ =	shalt  }
0x5f: {  	_ =	shalt  }
0x60: {  	_ =	shalt  }
0x61: {  	_ =	shalt  }
0x62: {  	_ =	shalt  }
0x63: {  	_ =	shalt  }
0x64: {  	_ =	shalt  }
0x65: {  	_ =	shalt  }
0x66: {  	_ =	shalt  }
0x67: {  	_ =	shalt  }
0x68: {  	_ =	shalt  }
0x69: {  	_ =	shalt  }
0x6a: {  	_ =	shalt  }
0x6b: {  	_ =	shalt  }
0x6c: {  	_ =	shalt  }
0x6d: {  	_ =	shalt  }
0x6e: {  	_ =	shalt  }
0x6f: {  	_ =	shalt  }
0x70: {  	_ =	shalt  }
0x71: {  	_ =	shalt  }
0x72: {  	_ =	shalt  }
0x73: {  	_ =	shalt  }
0x74: {  	_ =	shalt  }
0x75: {  	_ =	shalt  }
0x76: {  	_ =	shalt  }
0x77: {  	_ =	shalt  }
0x78: {  	_ =	shalt  }
0x79: {  	_ =	shalt  }
0x7a: {  	_ =	shalt  }
0x7b: {  	_ =	shalt  }
0x7c: {  	_ =	shalt  }
0x7d: {  	_ =	shalt  }
0x7e: {  	_ =	shalt  }
0x7f: {  	_ =	shalt  }
0x80: {  	_ =	shalt  }
0x81: {  	_ =	shalt  }
0x82: {  	_ =	shalt  }
0x83: {  	_ =	shalt  }
0x84: {  	_ =	shalt  }
0x85: {  	_ =	shalt  }
0x86: {  	_ =	shalt  }
0x87: {  	_ =	shalt  }
.Lfunc_end0:
.L_simem_size_0:
called_computation_lowered:
.L_overlay_start_0:
0x88: {  	s2 =	sld [smem:$0x3FD9]  }
0x89: {  	s3 =	sld [smem:$0x3FFE];
	_ =	sdelay $0x1  }
0x8a: {  	s1 =	srdreg.scid  }
0x8b: {  	s0 =	sand.u32 $0x1, s1  }
0x8c: {  	s17 =	sshll.u32 s0, $0xA;
	s2 =	sadd.s32 s3, s2  }
0x8d: {  	s2 =	sadd.s32 s2, s17  }
0x8e: {  	[smem:$0x3FC5] =	sst s2  }
0x8f: {  	_ = 	snop  }
0x90: {  	s2 =	sld [smem:$0x3FC7]  }
0x91: {  	s18 =	sld [smem:$0x3FD0];
	(tm) =	ssettm $0x1  }
0x92: {  	s4 =	sld [smem:$0x3FFB];
	_ =	sdelay $0x3  }
0x93: {  	_ =	strace s4  }
0x94: {  	s4 =	sld [smem:$0x3FFC];
	_ =	sdelay $0x3  }
0x95: {  	_ =	strace s4  }
0x96: {  	s4 =	sld [smem:$0x3FFD];
	_ =	sdelay $0x3  }
0x97: {  	_ =	strace s4  }
0x98: {  	_ =	strace $0x8FFFFFFF  }
0x99: {  	s19 =	sld [smem:$0x3FDB];
	_ =	sdelay $0x1  }
0x9a: {  	s5 =	simm.s32 $_scs_section_size  }
0x9b: {  	s6 =	simm.s32 $_size__tile_overlayer_lowered;
	s7 =	simm.s32 $_tile_overlayer_lowered  }
0x9c: {  	s22 =	simm.s32 $0x1BFF;
	s21 =	sshll.u32 s7, $0x1;
	s4 =	sadd.s32 s5, s19  }
0x9d: {  	s8 =	simm.s32 $0x0;
	s20 =	sshll.u32 s6, $0x1;
	s6 =	sadd.s32 s21, s4  }
0x9e: {  	[timem:s8], [sflag:s22] =	dma.local [hbm:s6], s20  }
0x9f: {  	_ =	swait.ge [sflag:s22], s20  }
0xa0: {  	s5 =	ssub.s32 $0x0, s20;
	[sflag:s22] =	ssyncset.done $0x0  }
0xa1: {  	[sflag:s22] =	ssyncadd.s32 s5;
	_ =	sdelay $0x1  }
0xa2: {  	s23 =	simm.s32 $0x1B8B  }
0xa3: {  	_ =	swait.ge [sflag:s23], $0x1  }
0xa4: {  	[sflag:s23] =	ssyncset.done $0x0  }
0xa5: {  	s25 =	simm.s32 $0x1B8E;
	s24 =	sld [smem:$0x3FFE];
	[sflag:s23] =	ssyncadd.s32 $0xFFFFFFFF  }
0xa6: {  	s26 =	simm.s32 $execute0_lowered;
	[smem:$0x3FD2] =	sst s25  }
0xa7: {  	s6 =	sshll.u32 s26, $0x1;
	_ =	strace $0x80000046;
	[dreg:$0x1] =	wrdreg $0xFFFFFFFF  }
0xa8: {  	s28 =	simm.s32 $_size_execute0_lowered;
	s4 =	sadd.s32 s4, s6;
	[dreg:$0x0] =	wrdreg $0x0  }
0xa9: {  	s6 =	sshll.u32 s28, $0x1;
	[dreg:$0x2] =	wrdreg s4  }
0xaa: {  	[dreg:$0x3] =	wrdreg s6  }
0xab: {  	[dreg:$0x4] =	wrdreg $0xC0  }
0xac: {  	_ =	task [dreg:s8], $0x5FFFF  }
0xad: {  	[dreg:$0x1] =	wrdreg $0xFFFFFFFF  }
0xae: {  	[dreg:$0x0] =	wrdreg $0x60  }
0xaf: {  	[dreg:$0x2] =	wrdreg s24  }
0xb0: {  	[dreg:$0x3] =	wrdreg s2  }
0xb1: {  	[dreg:$0x4] =	wrdreg s18  }
0xb2: {  	[dreg:$0x5] =	wrdreg $0x9  }
0xb3: {  	_ =	task.clear_ibuf [dreg:s8], $0x6FFFF;
	_ =	strace $0x90000046  }
0xb4: {  	s29 =	simm.s32 $0x9;
	_ =	strace $0x80000048  }
0xb5: {  	_ =	swait.ge [sflag:s29], $0x1  }
0xb6: {  	[sflag:s29] =	ssyncadd.s32 $0xFFFFFFFF  }
0xb7: {  	_ =	strace $0x90000048  }
0xb8: {  	_ =	sfence  }
0xb9: {  	s30 =	sld [smem:$0x0];
	_ =	sdelay $0x2  }
0xba: {  	s31 =	sshll.u32 s1, $0xD;
	s1 =	sshrl.u32 s1, $0x2  }
0xbb: {  	s3 =	sand.u32 $0x4000, s31;
	s1 =	sadd.s32 s1, s30  }
0xbc: {  	s0 =	sor.u32 s3, s0;
	s1 =	sshll.u32 s1, $0x11  }
0xbd: {  	s0 =	sor.u32 s1, s0  }
0xbe: {  	s0 =	sadd.s32 $0x8F2B, s0  }
0xbf: {  	[sflag:s0] =	ssyncadd.remote.s32 $0x1  }
0xc0: {  	_ =	sfence.sel $0xFFFF  }
0xc1: {  	[dreg:$0x0] =	wrdreg $0xFFFFFFFF;
	(pc) =	sbr.abs _section_cstart, $3  }
0xc2: {  	[dreg:$0x1] =	wrdreg $0xFFFFFFFF  }
0xc3: {  	_ =	task.clear_ibuf [dreg:s8], $0x2FFFF;
	_ =	strace $0x9FFFFFFF  }
0xc4: {  	(tm) =	ssettm $0x7FFFFFFF  }
0xc5: {  	_ =	shalt  }
tec
execute0_lowered:
.L_overlay_start_1:
0x0: {  	(tag) =	ssettag $0x1  }
0x1: {  	s6 =	rddreg [dreg:$0x0]  }
0x2: {  	s1 =	srdreg.scid;
	s2 =	rddreg [dreg:$0x1]  }
0x3: {  	s0 =	stileid.u32;
	s3 =	rddreg [dreg:$0x2];
	s5 =	simm.s32 $0x0  }
0x4: {  	s10 =	simm.s32 $0x1D00;
	s7 =	sand.u32 $0x1, s1;
	s31 =	sshll.u32 s0, $0x1  }
0x5: {  	s11 =	simm.s32 $0x80;
	s12 =	simm.s32 $0xD00;
	s1 =	sor.u32 s7, s31  }
0x6: {  	s13 =	simm.s32 $0x1;
	[smem:$0x7FF] =	sst s5;
	s4 =	smul.u32 $0xD00, s1  }
0x7: {  	s14 =	simm.s32 $0x0;
	s7 =	ssub.s32 $0x2, s7;
	s1 =	rddreg [dreg:$0x3]  }
0x8: {  	s9 =	sshrl.u32 s7, $0x1;
	_ =	strace $0x80000047;
	s8 =	sshrl.u32 s4, $0x3  }
0x9: {  	s9 =	ssub.s32 s7, s9;
	s8 =	sadd.s32 s8, s6;
	s6 =	sadd.s32 $0xF42E00, s6  }
0xa: {  	s7 =	sadd.s32 $0x800, s8;
	s8 =	smax.u32 s9, $0x1;
	s9 =	simm.s32 $0x2  }
.LBB2_1:
0xb: {  	[tilespmem:s5], [sflag:$0x2] =	stream.linear.gather [hbm4b:s7+s5], $0xD00, $0x38;
	[tilespmem:$0x1D20] =	vst v63  }
0xc: {  	_ =	swait.ge [sflag:s9], $0xD00  }
0xd: {  	[sflag:s9] =	ssyncset.done $0x0  }
0xe: {  	[sflag:s9] =	ssyncadd.s32 $0xFFFFF300  }
0xf: {  	[tilespmem:s10], [sflag:$0x2] =	stream.linear.gather [hbm4b:s2+s5], $0x20, $0x38;
	[tilespmem:$0x1D20] =	vst v63  }
0x10: {  	_ =	swait.ge [sflag:s9], $0x20  }
0x11: {  	[sflag:s9] =	ssyncset.done $0x0  }
0x12: {  	[sflag:s9] =	ssyncadd.s32 $0xFFFFFFE0  }
0x13: {  	v0 =	vld [tilespmem:$0x1D00];
	_ =	sdelay $0x4  }
0x14: {  	v0 =	vsub.f32 $0.0e+00, v0;
	_ =	sdelay $0x1  }
0x15: {  	v0 =	vmul.f32 $1.442695020e+00, v0;
	_ =	sdelay $0x1  }
0x16: {  	(erf) = vpow2.f32 v0;
	_ =	sdelay $0x3  }
0x17: {  	v0 =	vld [tilespmem:$0x1D10];
	_ =	sdelay $0x4  }
0x18: {  	v0 =	vsub.f32 $0.0e+00, v0;
	v1 =	vpop (erf)  }
0x19: {  	v1 =	vadd.f32 $1.000000000e+00, v1  }
0x1a: {  	v0 =	vmul.f32 $1.442695020e+00, v0  }
0x1b: {  	(erf) = vrcp.f32 v1  }
0x1c: {  	(erf) = vpow2.f32 v0;
	_ =	sdelay $0x7  }
0x1d: {  	v0 =	vpop (erf)  }
0x1e: {  	v1 =	vpop (erf)  }
0x1f: {  	v1 =	vadd.f32 $1.000000000e+00, v1;
	_ =	sdelay $0x1  }
0x20: {  	(erf) = vrcp.f32 v1;
	_ =	sdelay $0x8  }
0x21: {  	v2 =	vsub.f32 $0.0e+00, v0;
	v1 =	vpop (erf)  }
0x22: {  	s15 =	simm.s32 $0x0;
	v3 =	vsub.f32 $0.0e+00, v1  }
.LBB2_2:
0x23: {  	s16 =	sshll.u32 s15, $0x7  }
0x24: {  	[tilespmem:s12], [sflag:$0x1] =	stream.indirect.gather [hbm4b:s6+s11], $0x20, s16, s11, $0xb8;
	[tilespmem:$0x1D20] =	vst v63  }
0x25: {  	_ =	swait.ge [sflag:s13], $0x1000  }
0x26: {  	[sflag:s13] =	ssyncset.done $0x0  }
0x27: {  	s17 =	simm.s32 $0xD40;
	[sflag:s13] =	ssyncadd.s32 $0xFFFFF000  }
0x28: {  	v5 =	vld [tilespmem:s17+$0xFFFFFFC0]  }
0x29: {  	v7 =	vld [tilespmem:s17+$0xFFFFFFD0];
	_ =	sdelay $0x2  }
0x2a: {  	v10 =	vld [tilespmem:s17+$0xFFFFFFE0]  }
0x2b: {  	v8 =	vld [tilespmem:s17+$0x0];
	v4 =	vmax.f32 v5, v2  }
0x2c: {  	v6 =	vld [tilespmem:s17+$0x10];
	v11 =	vmax.f32 v7, v3;
	v9 =	vmin.f32 v4, v0  }
0x2d: {  	v4 =	vld [tilespmem:s17+$0x20];
	v12 =	vsub.f32 v5, v9;
	v9 =	vmin.f32 v11, v1  }
0x2e: {  	v9 =	vsub.f32 v7, v9;
	v7 =	vld [tilespmem:s17+$0x30]  }
0x2f: {  	v11 =	vmax.f32 v10, v2;
	v5 =	vld [tilespmem:s17+$0xFFFFFFF0]  }
0x30: {  	v13 =	vmax.f32 v8, v2;
	v11 =	vmin.f32 v11, v0  }
0x31: {  	s18 =	simm.s32 $0x0;
	s19 =	simm.s32 $0xDC0;
	[tilespmem:s17+$0xFFFFFFC0] =	vst v12;
	v10 =	vsub.f32 v10, v11;
	v11 =	vmin.f32 v13, v0;
	v12 =	vmax.f32 v6, v3  }
.LBB2_3:
0x32: {  	v13 =	vld [tilespmem:s19+$0xFFFFFFC0];
	[tilespmem:s17+$0xFFFFFFD0] =	vst v9;
	v8 =	vsub.f32 v8, v11;
	v9 =	vmin.f32 v12, v1;
	v11 =	vmax.f32 v4, v2  }
0x33: {  	v12 =	vld [tilespmem:s19+$0xFFFFFFD0];
	[tilespmem:s17+$0xFFFFFFE0] =	vst v10;
	v6 =	vsub.f32 v6, v9;
	v9 =	vmin.f32 v11, v0;
	v10 =	vmax.f32 v7, v3  }
0x34: {  	v11 =	vld [tilespmem:s19+$0xFFFFFFE0];
	v14 =	vmax.f32 v5, v3;
	[tilespmem:s17+$0x0] =	vst v8;
	v4 =	vsub.f32 v4, v9;
	v9 =	vmin.f32 v10, v1  }
0x35: {  	s18 =	sadd.s32 $0x4, s18;
	v8 =	vld [tilespmem:s19+$0x0];
	v10 =	vmin.f32 v14, v1;
	[tilespmem:s17+$0x10] =	vst v6;
	v7 =	vsub.f32 v7, v9  }
0x36: {  	p0 =	slt.u32 s18, $0x7C;
	v6 =	vld [tilespmem:s19+$0x10];
	v5 =	vsub.f32 v5, v10;
	[tilespmem:s17+$0x20] =	vst v4  }
.Ltmp0:
0x37: {  	v9 =	vmax.f32 v13, v2;
	v4 =	vld [tilespmem:s19+$0x20];
	[tilespmem:s17+$0x30] =	vst v7;
	(pc) =	sbr.rel @p0 .LBB2_3-.Ltmp0, $4  }
0x38: {  	v9 =	vmin.f32 v9, v0;
	v10 =	vmax.f32 v12, v3;
	v7 =	vld [tilespmem:s19+$0x30];
	[tilespmem:s17+$0xFFFFFFF0] =	vst v5;
	s17 =	smov.u32 s19  }
0x39: {  	v13 =	vsub.f32 v13, v9;
	v9 =	vmin.f32 v10, v1;
	v5 =	vld [tilespmem:s19+$0xFFFFFFF0];
	v10 =	vmax.f32 v11, v2  }
0x3a: {  	v9 =	vsub.f32 v12, v9;
	v10 =	vmin.f32 v10, v0;
	v12 =	vmax.f32 v8, v2  }
0x3b: {  	s19 =	sadd.s32 $0x80, s19;
	[tilespmem:s17+$0xFFFFFFC0] =	vst v13;
	v10 =	vsub.f32 v11, v10;
	v11 =	vmin.f32 v12, v0;
	v12 =	vmax.f32 v6, v3  }
0x3c: {  	[tilespmem:s17+$0xFFFFFFD0] =	vst v9;
	v8 =	vsub.f32 v8, v11;
	v56 =	vmin.f32 v12, v1;
	v57 =	vmax.f32 v4, v2  }
0x3d: {  	[tilespmem:s17+$0xFFFFFFE0] =	vst v10;
	v6 =	vsub.f32 v6, v56;
	v58 =	vmin.f32 v57, v0;
	v59 =	vmax.f32 v7, v3  }
0x3e: {  	v60 =	vmax.f32 v5, v3;
	[tilespmem:s17+$0x0] =	vst v8;
	v4 =	vsub.f32 v4, v58;
	v61 =	vmin.f32 v59, v1  }
0x3f: {  	v62 =	vmin.f32 v60, v1;
	[tilespmem:s17+$0x10] =	vst v6;
	v63 =	vsub.f32 v7, v61  }
0x40: {  	s16 =	sadd.s32 s4, s16;
	s15 =	sadd.s32 $0x1, s15;
	v5 =	vsub.f32 v5, v62;
	[tilespmem:s17+$0x20] =	vst v4  }
0x41: {  	s16 =	sshll.u32 s16, $0x2;
	p0 =	sne.s32 s15, $0x1A;
	[tilespmem:s17+$0x30] =	vst v63  }
.Ltmp1:
0x42: {  	s16 =	sadd.s32 s3, s16;
	[tilespmem:s17+$0xFFFFFFF0] =	vst v5;
	(pc) =	sbr.rel @p0 .LBB2_2-.Ltmp1, $4  }
0x43: {  	[hbm4b:s16+s5] =	stream.linear.scatter [tilespmem:s12], [sflag:$0x2], $0x1000, $0x38;
	[tilespmem:$0x1D20] =	vst v63  }
0x44: {  	_ =	swait.ge [sflag:s9], $0x1000  }
0x45: {  	[sflag:s9] =	ssyncset.done $0x0  }
0x46: {  	[sflag:s9] =	ssyncadd.s32 $0xFFFFF000  }
0x47: {  	s14 =	sadd.s32 $0x1, s14  }
0x48: {  	p0 =	sne.s32 s14, s8  }
.Ltmp2:
0x49: {  	_ = 	snop;
	(pc) =	sbr.rel @p0 .LBB2_1-.Ltmp2, $1  }
0x4a: {  	_ =	sdelay $0x3  }
0x4b: {  	_ =	sfence.sel $0x180000  }
0x4c: {  	[bflag:$0x0] =	sbarrier.arrive $0xFFFF  }
0x4d: {  	p0 =	sne.s32 s0, $0x0;
	_ =	strace $0x90000047  }
0x4e: {  	s0 =	sadd.s32 @!p0 $0x100000, s1;
	[bflag:$0x2] =	sbarrier.arrive $0xFFFF  }
0x4f: {  	[sflag:s0] =	ssyncadd.tile.s32 @!p0 $0x1;
	_ =	shalt  }
.Lfunc_end2:
_tile_overlayer_lowered:
.L_overlay_start_2:
0x50: {  	(tag) =	ssettag $0x2  }
0x51: {  	s0 =	rddreg [dreg:$0x0];
	s2 =	stileid.u32  }
0x52: {  	s1 =	rddreg [dreg:$0x1];
	p0 =	sne.s32 s2, $0x0  }
0x53: {  	s3 =	rddreg [dreg:$0x2];
	[bflag:$0x3] =	sbarrier.arrive $0xFFFF;
	s2 =	simm.s32 @!p0 $0x1C02  }
0x54: {  	[timem:s3], [sflag:s2] =	dma.local @!p0 [hbm:s0], s1  }
0x55: {  	s0 =	simm.s32 @!p0 $0x2  }
0x56: {  	_ =	swait.ge @!p0 [sflag:s0], s1  }
0x57: {  	s1 =	ssub.s32 @!p0 $0x0, s1;
	[sflag:s0] =	ssyncset.done @!p0 $0x0  }
0x58: {  	[sflag:s0] =	ssyncadd.s32 @!p0 s1  }
0x59: {  	[bflag:$0x3] =	sbarrier.arrive $0xFFFF  }
0x5a: {  	_ =	shalt  }

</sc_bundles>
